<compile_context>
chip_gen: v7x
topology: tpu7x:2x2x1
jax: 0.10.2.dev20260603
libtpu: 0.0.44.dev20260713+nightly
codegen_flags: <defaults>
</compile_context>

<pallas_src>
import functools
import math

import jax
import jax.numpy as jnp
from jax import lax
from jax.experimental import pallas as pl
from jax.experimental.pallas import tpu as pltpu
from jax.experimental.pallas import tpu_sc as plsc

V0, V1, V2 = 5, 6, 2
D = 64
NLUT = 64
SCALE = 1.0 / math.sqrt(3.0)
L = 16
BN = 64000


def _lut_body(t0_ref, t1_ref, t2_ref, lut_ref):
    c = lax.broadcasted_iota(jnp.int32, (NLUT, D), 0)
    i0 = c % V0
    i1 = (c // V0) % V1
    i2 = (c // (V0 * V1)) % V2
    acc = jnp.zeros((NLUT, D), jnp.float32)
    for k in range(V0):
        acc = acc + jnp.where(i0 == k, t0_ref[k, :], 0.0)
    for k in range(V1):
        acc = acc + jnp.where(i1 == k, t1_ref[k, :], 0.0)
    for k in range(V2):
        acc = acc + jnp.where(i2 == k, t2_ref[k, :], 0.0)
    lut_ref[...] = acc * SCALE


def _build_lut(t0, t1, t2):
    t0p = jnp.pad(t0, ((0, 8 - V0), (0, 0)))
    t1p = jnp.pad(t1, ((0, 8 - V1), (0, 0)))
    t2p = jnp.pad(t2, ((0, 8 - V2), (0, 0)))
    return pl.pallas_call(
        _lut_body,
        out_shape=jax.ShapeDtypeStruct((NLUT, D), jnp.float32),
    )(t0p, t1p, t2p)


@functools.cache
def _make_sc_index_kernel(n_edges):
    info = plsc.get_sparse_core_info()
    nc, ns = info.num_cores, info.num_subcores
    nw = nc * ns
    per_w = n_edges // nw
    chunk = 10000
    n_it = per_w // chunk
    assert per_w % chunk == 0 and n_edges % nw == 0

    mesh = plsc.VectorSubcoreMesh(core_axis_name="c", subcore_axis_name="s")

    @functools.partial(
        pl.kernel,
        out_type=jax.ShapeDtypeStruct((n_edges,), jnp.int32),
        mesh=mesh,
        scratch_types=[
            pltpu.VMEM((chunk,), jnp.int32),
            pltpu.VMEM((chunk,), jnp.int32),
            pltpu.VMEM((chunk,), jnp.int32),
            pltpu.VMEM((chunk,), jnp.int32),
        ],
        compiler_params=pltpu.CompilerParams(
            use_tc_tiling_on_sc=False, needs_layout_passes=False
        ),
    )
    def sc_index(f0_hbm, f1_hbm, f2_hbm, cmb_hbm, f0_v, f1_v, f2_v, idx_v):
        wid = lax.axis_index("s") * nc + lax.axis_index("c")
        base = wid * per_w

        def step(it, carry):
            e0 = base + it * chunk
            pltpu.sync_copy(f0_hbm.at[pl.ds(e0, chunk)], f0_v)
            pltpu.sync_copy(f1_hbm.at[pl.ds(e0, chunk)], f1_v)
            pltpu.sync_copy(f2_hbm.at[pl.ds(e0, chunk)], f2_v)

            def grp(g, c2):
                sl = pl.ds(g * L, L)
                idx_v[sl] = f0_v[sl] + f1_v[sl] * V0 + f2_v[sl] * (V0 * V1)
                return c2

            lax.fori_loop(0, chunk // L, grp, 0)
            pltpu.sync_copy(idx_v, cmb_hbm.at[pl.ds(e0, chunk)])
            return carry

        lax.fori_loop(0, n_it, step, 0)

    return sc_index


def _expand_body(cmb_ref, lut_ref, out_ref):
    cvec = cmb_ref[0]
    oh = (lax.broadcasted_iota(jnp.int32, (NLUT, BN), 0) == cvec)
    oh = oh.astype(jnp.float32)
    out_ref[...] = lax.dot_general(
        lut_ref[...], oh, (((0,), (0,)), ((), ())),
        preferred_element_type=jnp.float32)


def _expand_t(cmb, lut, n_edges):
    n_blocks = n_edges // BN
    cmb3 = jnp.reshape(cmb, (n_blocks, 1, BN))
    return pl.pallas_call(
        _expand_body,
        grid=(n_blocks,),
        in_specs=[
            pl.BlockSpec((1, 1, BN), lambda i: (i, 0, 0)),
            pl.BlockSpec((NLUT, D), lambda i: (0, 0)),
        ],
        out_specs=pl.BlockSpec((D, BN), lambda i: (0, i)),
        out_shape=jax.ShapeDtypeStruct((D, n_edges), jnp.float32),
    )(cmb3, lut)


def kernel(feats, table0, table1, table2):
    n = feats.shape[0]
    lut = _build_lut(table0, table1, table2)
    sc_index = _make_sc_index_kernel(n)
    f = feats.astype(jnp.int32)
    cmb = sc_index(f[:, 0], f[:, 1], f[:, 2])
    return _expand_t(cmb, lut, n).T

# --- scband reference (transcript-rebuilt; emitter-appended) ---
"""Pipeline reference for scband-bond-embedding-54580444397756 (READ-ONLY COPY).

The authoritative reference and input builder live on the scoring server;
editing this copy changes nothing except your own understanding.
"""

import jax, jax.numpy as jnp
import numpy as np
import math

VOCAB_SIZES = [5, 6, 2]
EMBED_DIM = 64
N_EDGES = 1600000


def setup_inputs(seed: int = 0) -> dict:
    key = jax.random.key(seed)
    feats = jax.random.randint(jax.random.fold_in(key, 0), (N_EDGES, len(VOCAB_SIZES)), 0, 2, dtype=jnp.int64 if jax.config.jax_enable_x64 else jnp.int32)
    inp = {"feats": feats}
    for i, v in enumerate(VOCAB_SIZES):
        inp[f"table{i}"] = jax.random.normal(jax.random.fold_in(key, i + 1), (v, EMBED_DIM), dtype=jnp.float32) * 0.02
    return inp


def reference(feats, table0, table1, table2):
    tables = [table0, table1, table2]
    num_features = len(tables)
    scale = 1.0 / math.sqrt(num_features)
    feats_embed = 0.0
    for i in range(num_features):
        feats_embed = feats_embed + scale * jnp.take(tables[i], feats[..., i], axis=0)
    return feats_embed

if __name__ == "__main__":
    import jax
    _d = setup_inputs()
    print(jax.jit(kernel)(*tuple(_d.values())))

</pallas_src>

<mosaic_0001>
#map = affine_map<(d0, d1) -> (0)>
module attributes {stable_mosaic.version = 14 : i64} {
  func.func @sc_index(%arg0: i32, %arg1: i32, %arg2: memref<1600000xi32, #tpu.memory_space<hbm>>, %arg3: memref<1600000xi32, #tpu.memory_space<hbm>>, %arg4: memref<1600000xi32, #tpu.memory_space<hbm>>, %arg5: memref<1600000xi32, #tpu.memory_space<hbm>>, %arg6: memref<10000xi32, #tpu.memory_space<vmem>>, %arg7: memref<10000xi32, #tpu.memory_space<vmem>>, %arg8: memref<10000xi32, #tpu.memory_space<vmem>>, %arg9: memref<10000xi32, #tpu.memory_space<vmem>>) attributes {dimension_semantics = [#tpu.dimension_semantics<core_parallel>, #tpu.dimension_semantics<subcore_parallel>], iteration_bounds = array<i64: 2, 16>, scalar_prefetch = 0 : i64, scratch_operands = 4 : i64, tpu.core_type = #tpu.core_type<sc_vector_subcore>, window_params = [{transform_indices = #map}, {transform_indices = #map}, {transform_indices = #map}, {transform_indices = #map}]} {
    %mul3A = arith.constant 2 : i32
    %mul3A_0 = arith.muli %arg1, %mul3A : i32
    %add3A = arith.addi %mul3A_0, %arg0 : i32
    %mul3A_1 = arith.constant 50000 : i32
    %mul3A_2 = arith.muli %add3A, %mul3A_1 : i32
    %scan3A = arith.constant 0 : i32
    %scan3A_3 = arith.constant 0 : i32
    %scan3A_4 = arith.constant 5 : i32
    %scan3A_5 = arith.addi %scan3A_3, %scan3A_4 : i32
    %scan3A_6 = arith.constant 1 : i32
    scf.for %scan3A_8 = %scan3A_3 to %scan3A_5 step %scan3A_6  : i32 {
      %mul3A_9 = arith.constant 10000 : i32
      %mul3A_10 = arith.muli %scan3A_8, %mul3A_9 : i32
      %add3A_11 = arith.addi %mul3A_2, %mul3A_10 : i32
      "tpu.region"() ({
        %run_scoped3A = tpu.sem_alloc : memref<!tpu.dma_semaphore, #tpu.memory_space<semaphore_mem>>
        %dma_start3A = tpu.memref_slice %arg2[%add3A_11] : memref<1600000xi32, #tpu.memory_space<hbm>> -> memref<10000xi32, #tpu.memory_space<hbm>>
        %dma_start3A_18 = tpu.memref_slice %arg2[%add3A_11] : memref<1600000xi32, #tpu.memory_space<hbm>> -> memref<10000xi32, #tpu.memory_space<hbm>>
        tpu.enqueue_dma source(%dma_start3A_18 : memref<10000xi32, #tpu.memory_space<hbm>>) target(%arg6 : memref<10000xi32, #tpu.memory_space<vmem>>) target_semaphore(%run_scoped3A : memref<!tpu.dma_semaphore, #tpu.memory_space<semaphore_mem>>)
        %dma_wait3A = tpu.memref_slice %arg2[%add3A_11] : memref<1600000xi32, #tpu.memory_space<hbm>> -> memref<10000xi32, #tpu.memory_space<hbm>>
        %dma_wait3A_19 = tpu.memref_slice %arg2[%add3A_11] : memref<1600000xi32, #tpu.memory_space<hbm>> -> memref<10000xi32, #tpu.memory_space<hbm>>
        tpu.wait_dma2 semaphore(%run_scoped3A : memref<!tpu.dma_semaphore, #tpu.memory_space<semaphore_mem>>) src(%dma_wait3A_19 : memref<10000xi32, #tpu.memory_space<hbm>>) dst(%arg6 : memref<10000xi32, #tpu.memory_space<vmem>>)
        tpu.yield
      }) : () -> ()
      "tpu.region"() ({
        %run_scoped3A = tpu.sem_alloc : memref<!tpu.dma_semaphore, #tpu.memory_space<semaphore_mem>>
        %dma_start3A = tpu.memref_slice %arg3[%add3A_11] : memref<1600000xi32, #tpu.memory_space<hbm>> -> memref<10000xi32, #tpu.memory_space<hbm>>
        %dma_start3A_18 = tpu.memref_slice %arg3[%add3A_11] : memref<1600000xi32, #tpu.memory_space<hbm>> -> memref<10000xi32, #tpu.memory_space<hbm>>
        tpu.enqueue_dma source(%dma_start3A_18 : memref<10000xi32, #tpu.memory_space<hbm>>) target(%arg7 : memref<10000xi32, #tpu.memory_space<vmem>>) target_semaphore(%run_scoped3A : memref<!tpu.dma_semaphore, #tpu.memory_space<semaphore_mem>>)
        %dma_wait3A = tpu.memref_slice %arg3[%add3A_11] : memref<1600000xi32, #tpu.memory_space<hbm>> -> memref<10000xi32, #tpu.memory_space<hbm>>
        %dma_wait3A_19 = tpu.memref_slice %arg3[%add3A_11] : memref<1600000xi32, #tpu.memory_space<hbm>> -> memref<10000xi32, #tpu.memory_space<hbm>>
        tpu.wait_dma2 semaphore(%run_scoped3A : memref<!tpu.dma_semaphore, #tpu.memory_space<semaphore_mem>>) src(%dma_wait3A_19 : memref<10000xi32, #tpu.memory_space<hbm>>) dst(%arg7 : memref<10000xi32, #tpu.memory_space<vmem>>)
        tpu.yield
      }) : () -> ()
      "tpu.region"() ({
        %run_scoped3A = tpu.sem_alloc : memref<!tpu.dma_semaphore, #tpu.memory_space<semaphore_mem>>
        %dma_start3A = tpu.memref_slice %arg4[%add3A_11] : memref<1600000xi32, #tpu.memory_space<hbm>> -> memref<10000xi32, #tpu.memory_space<hbm>>
        %dma_start3A_18 = tpu.memref_slice %arg4[%add3A_11] : memref<1600000xi32, #tpu.memory_space<hbm>> -> memref<10000xi32, #tpu.memory_space<hbm>>
        tpu.enqueue_dma source(%dma_start3A_18 : memref<10000xi32, #tpu.memory_space<hbm>>) target(%arg8 : memref<10000xi32, #tpu.memory_space<vmem>>) target_semaphore(%run_scoped3A : memref<!tpu.dma_semaphore, #tpu.memory_space<semaphore_mem>>)
        %dma_wait3A = tpu.memref_slice %arg4[%add3A_11] : memref<1600000xi32, #tpu.memory_space<hbm>> -> memref<10000xi32, #tpu.memory_space<hbm>>
        %dma_wait3A_19 = tpu.memref_slice %arg4[%add3A_11] : memref<1600000xi32, #tpu.memory_space<hbm>> -> memref<10000xi32, #tpu.memory_space<hbm>>
        tpu.wait_dma2 semaphore(%run_scoped3A : memref<!tpu.dma_semaphore, #tpu.memory_space<semaphore_mem>>) src(%dma_wait3A_19 : memref<10000xi32, #tpu.memory_space<hbm>>) dst(%arg8 : memref<10000xi32, #tpu.memory_space<vmem>>)
        tpu.yield
      }) : () -> ()
      %scan3A_12 = arith.constant 0 : i32
      %scan3A_13 = arith.constant 0 : i32
      %scan3A_14 = arith.constant 625 : i32
      %scan3A_15 = arith.addi %scan3A_13, %scan3A_14 : i32
      %scan3A_16 = arith.constant 1 : i32
      scf.for %scan3A_18 = %scan3A_13 to %scan3A_15 step %scan3A_16  : i32 {
        %mul3A_19 = arith.constant 16 : i32
        %mul3A_20 = arith.muli %scan3A_18, %mul3A_19 : i32
        %get3A = arith.index_cast %mul3A_20 : i32 to index
        %get3A_21 = tpu.vector_load %arg6[%get3A] {strides = array<i32>} : memref<10000xi32, #tpu.memory_space<vmem>>, vector<16xi32>,
        %get3A_22 = arith.index_cast %mul3A_20 : i32 to index
        %get3A_23 = tpu.vector_load %arg7[%get3A_22] {strides = array<i32>} : memref<10000xi32, #tpu.memory_space<vmem>>, vector<16xi32>,
        %mul3A_24 = arith.constant 5 : i32
        %mul3A_25 = vector.broadcast %mul3A_24 : i32 to vector<16xi32>
        %mul3A_26 = arith.muli %get3A_23, %mul3A_25 : vector<16xi32>
        %add3A_27 = arith.addi %get3A_21, %mul3A_26 : vector<16xi32>
        %get3A_28 = arith.index_cast %mul3A_20 : i32 to index
        %get3A_29 = tpu.vector_load %arg8[%get3A_28] {strides = array<i32>} : memref<10000xi32, #tpu.memory_space<vmem>>, vector<16xi32>,
        %mul3A_30 = arith.constant 30 : i32
        %mul3A_31 = vector.broadcast %mul3A_30 : i32 to vector<16xi32>
        %mul3A_32 = arith.muli %get3A_29, %mul3A_31 : vector<16xi32>
        %add3A_33 = arith.addi %add3A_27, %mul3A_32 : vector<16xi32>
        %swap3A = arith.index_cast %mul3A_20 : i32 to index
        %swap3A_34 = tpu.vector_load %arg9[%swap3A] {strides = array<i32>} : memref<10000xi32, #tpu.memory_space<vmem>>, vector<16xi32>,
        tpu.vector_store %arg9[%swap3A], %add3A_33 {strides = array<i32>} : memref<10000xi32, #tpu.memory_space<vmem>>, vector<16xi32>,
      }
      %scan3A_17 = arith.constant 625 : i32
      "tpu.region"() ({
        %run_scoped3A = tpu.sem_alloc : memref<!tpu.dma_semaphore, #tpu.memory_space<semaphore_mem>>
        %dma_start3A = tpu.memref_slice %arg5[%add3A_11] : memref<1600000xi32, #tpu.memory_space<hbm>> -> memref<10000xi32, #tpu.memory_space<hbm>>
        %dma_start3A_18 = tpu.memref_slice %arg5[%add3A_11] : memref<1600000xi32, #tpu.memory_space<hbm>> -> memref<10000xi32, #tpu.memory_space<hbm>>
        tpu.enqueue_dma source(%arg9 : memref<10000xi32, #tpu.memory_space<vmem>>) target(%dma_start3A_18 : memref<10000xi32, #tpu.memory_space<hbm>>) target_semaphore(%run_scoped3A : memref<!tpu.dma_semaphore, #tpu.memory_space<semaphore_mem>>)
        %dma_wait3A = tpu.memref_slice %arg5[%add3A_11] : memref<1600000xi32, #tpu.memory_space<hbm>> -> memref<10000xi32, #tpu.memory_space<hbm>>
        %dma_wait3A_19 = tpu.memref_slice %arg5[%add3A_11] : memref<1600000xi32, #tpu.memory_space<hbm>> -> memref<10000xi32, #tpu.memory_space<hbm>>
        tpu.wait_dma2 semaphore(%run_scoped3A : memref<!tpu.dma_semaphore, #tpu.memory_space<semaphore_mem>>) src(%arg9 : memref<10000xi32, #tpu.memory_space<vmem>>) dst(%dma_wait3A_19 : memref<10000xi32, #tpu.memory_space<hbm>>)
        tpu.yield
      }) : () -> ()
    }
    %scan3A_7 = arith.constant 5 : i32
    return
  }
}

module attributes {stable_mosaic.version = 14 : i64} {
  func.func @_lut_body(%arg0: memref<8x64xf32, #tpu.memory_space<vmem>>, %arg1: memref<8x64xf32, #tpu.memory_space<vmem>>, %arg2: memref<8x64xf32, #tpu.memory_space<vmem>>, %arg3: memref<64x64xf32, #tpu.memory_space<vmem>>) attributes {dimension_semantics = [], scalar_prefetch = 0 : i64, scratch_operands = 0 : i64, tpu.core_type = #tpu.core_type<tc>} {
    %iota3A = tpu.iota {dimensions = array<i32: 0>} : vector<64x64xi32>
    %jit3A = arith.constant 5 : i32
    %eq3A = arith.constant 0 : i32
    %eq3A_0 = arith.cmpi eq, %jit3A, %eq3A : i32
    %jit3A_1 = arith.constant 1 : i32
    %select_n3A = arith.select %eq3A_0, %jit3A_1, %jit3A : i32
    %rem3A = vector.broadcast %select_n3A : i32 to vector<64x64xi32>
    %rem3A_2 = arith.remsi %iota3A, %rem3A : vector<64x64xi32>
    %ne3A = arith.constant 0 : i32
    %ne3A_3 = vector.broadcast %ne3A : i32 to vector<64x64xi32>
    %ne3A_4 = arith.cmpi ne, %rem3A_2, %ne3A_3 : vector<64x64xi32>
    %lt3A = arith.constant 0 : i32
    %lt3A_5 = vector.broadcast %lt3A : i32 to vector<64x64xi32>
    %lt3A_6 = arith.cmpi slt, %rem3A_2, %lt3A_5 : vector<64x64xi32>
    %lt3A_7 = arith.constant 0 : i32
    %lt3A_8 = arith.cmpi slt, %select_n3A, %lt3A_7 : i32
    %ne3A_9 = vector.broadcast %lt3A_8 : i1 to vector<64x64xi1>
    %ne3A_10 = vector.broadcast %ne3A_9 : vector<64x64xi1> to vector<64x64xi1>
    %ne3A_11 = arith.xori %lt3A_6, %ne3A_10 : vector<64x64xi1>
    %and3A = arith.andi %ne3A_11, %ne3A_4 : vector<64x64xi1>
    %add3A = vector.broadcast %select_n3A : i32 to vector<64x64xi32>
    %add3A_12 = arith.addi %rem3A_2, %add3A : vector<64x64xi32>
    %select_n3A_13 = arith.select %and3A, %add3A_12, %rem3A_2 : vector<64x64xi1>, vector<64x64xi32>
    %jit3A_14 = arith.constant 5 : i32
    %div3A = vector.broadcast %jit3A_14 : i32 to vector<64x64xi32>
    %div3A_15 = arith.divsi %iota3A, %div3A : vector<64x64xi32>
    %sign3A = arith.constant 0 : i32
    %sign3A_16 = vector.broadcast %sign3A : i32 to vector<64x64xi32>
    %sign3A_17 = arith.cmpi sgt, %iota3A, %sign3A_16 : vector<64x64xi32>
    %sign3A_18 = arith.extui %sign3A_17 : vector<64x64xi1> to vector<64x64xi32>
    %sign3A_19 = arith.constant 0 : i32
    %sign3A_20 = vector.broadcast %sign3A_19 : i32 to vector<64x64xi32>
    %sign3A_21 = arith.cmpi slt, %iota3A, %sign3A_20 : vector<64x64xi32>
    %sign3A_22 = arith.extui %sign3A_21 : vector<64x64xi1> to vector<64x64xi32>
    %sign3A_23 = arith.subi %sign3A_18, %sign3A_22 : vector<64x64xi32>
    %sign3A_24 = arith.constant 0 : i32
    %sign3A_25 = arith.cmpi sgt, %jit3A_14, %sign3A_24 : i32
    %sign3A_26 = arith.extui %sign3A_25 : i1 to i32
    %sign3A_27 = arith.constant 0 : i32
    %sign3A_28 = arith.cmpi slt, %jit3A_14, %sign3A_27 : i32
    %sign3A_29 = arith.extui %sign3A_28 : i1 to i32
    %sign3A_30 = arith.subi %sign3A_26, %sign3A_29 : i32
    %ne3A_31 = vector.broadcast %sign3A_30 : i32 to vector<64x64xi32>
    %ne3A_32 = arith.cmpi ne, %sign3A_23, %ne3A_31 : vector<64x64xi32>
    %rem3A_33 = vector.broadcast %jit3A_14 : i32 to vector<64x64xi32>
    %rem3A_34 = arith.remsi %iota3A, %rem3A_33 : vector<64x64xi32>
    %ne3A_35 = arith.constant 0 : i32
    %ne3A_36 = vector.broadcast %ne3A_35 : i32 to vector<64x64xi32>
    %ne3A_37 = arith.cmpi ne, %rem3A_34, %ne3A_36 : vector<64x64xi32>
    %and3A_38 = arith.andi %ne3A_32, %ne3A_37 : vector<64x64xi1>
    %sub3A = arith.constant 1 : i32
    %sub3A_39 = vector.broadcast %sub3A : i32 to vector<64x64xi32>
    %sub3A_40 = arith.subi %div3A_15, %sub3A_39 : vector<64x64xi32>
    %select_n3A_41 = arith.select %and3A_38, %sub3A_40, %div3A_15 : vector<64x64xi1>, vector<64x64xi32>
    %jit3A_42 = arith.constant 6 : i32
    %eq3A_43 = arith.constant 0 : i32
    %eq3A_44 = arith.cmpi eq, %jit3A_42, %eq3A_43 : i32
    %jit3A_45 = arith.constant 1 : i32
    %select_n3A_46 = arith.select %eq3A_44, %jit3A_45, %jit3A_42 : i32
    %rem3A_47 = vector.broadcast %select_n3A_46 : i32 to vector<64x64xi32>
    %rem3A_48 = arith.remsi %select_n3A_41, %rem3A_47 : vector<64x64xi32>
    %ne3A_49 = arith.constant 0 : i32
    %ne3A_50 = vector.broadcast %ne3A_49 : i32 to vector<64x64xi32>
    %ne3A_51 = arith.cmpi ne, %rem3A_48, %ne3A_50 : vector<64x64xi32>
    %lt3A_52 = arith.constant 0 : i32
    %lt3A_53 = vector.broadcast %lt3A_52 : i32 to vector<64x64xi32>
    %lt3A_54 = arith.cmpi slt, %rem3A_48, %lt3A_53 : vector<64x64xi32>
    %lt3A_55 = arith.constant 0 : i32
    %lt3A_56 = arith.cmpi slt, %select_n3A_46, %lt3A_55 : i32
    %ne3A_57 = vector.broadcast %lt3A_56 : i1 to vector<64x64xi1>
    %ne3A_58 = vector.broadcast %ne3A_57 : vector<64x64xi1> to vector<64x64xi1>
    %ne3A_59 = arith.xori %lt3A_54, %ne3A_58 : vector<64x64xi1>
    %and3A_60 = arith.andi %ne3A_59, %ne3A_51 : vector<64x64xi1>
    %add3A_61 = vector.broadcast %select_n3A_46 : i32 to vector<64x64xi32>
    %add3A_62 = arith.addi %rem3A_48, %add3A_61 : vector<64x64xi32>
    %select_n3A_63 = arith.select %and3A_60, %add3A_62, %rem3A_48 : vector<64x64xi1>, vector<64x64xi32>
    %jit3A_64 = arith.constant 30 : i32
    %div3A_65 = vector.broadcast %jit3A_64 : i32 to vector<64x64xi32>
    %div3A_66 = arith.divsi %iota3A, %div3A_65 : vector<64x64xi32>
    %sign3A_67 = arith.constant 0 : i32
    %sign3A_68 = vector.broadcast %sign3A_67 : i32 to vector<64x64xi32>
    %sign3A_69 = arith.cmpi sgt, %iota3A, %sign3A_68 : vector<64x64xi32>
    %sign3A_70 = arith.extui %sign3A_69 : vector<64x64xi1> to vector<64x64xi32>
    %sign3A_71 = arith.constant 0 : i32
    %sign3A_72 = vector.broadcast %sign3A_71 : i32 to vector<64x64xi32>
    %sign3A_73 = arith.cmpi slt, %iota3A, %sign3A_72 : vector<64x64xi32>
    %sign3A_74 = arith.extui %sign3A_73 : vector<64x64xi1> to vector<64x64xi32>
    %sign3A_75 = arith.subi %sign3A_70, %sign3A_74 : vector<64x64xi32>
    %sign3A_76 = arith.constant 0 : i32
    %sign3A_77 = arith.cmpi sgt, %jit3A_64, %sign3A_76 : i32
    %sign3A_78 = arith.extui %sign3A_77 : i1 to i32
    %sign3A_79 = arith.constant 0 : i32
    %sign3A_80 = arith.cmpi slt, %jit3A_64, %sign3A_79 : i32
    %sign3A_81 = arith.extui %sign3A_80 : i1 to i32
    %sign3A_82 = arith.subi %sign3A_78, %sign3A_81 : i32
    %ne3A_83 = vector.broadcast %sign3A_82 : i32 to vector<64x64xi32>
    %ne3A_84 = arith.cmpi ne, %sign3A_75, %ne3A_83 : vector<64x64xi32>
    %rem3A_85 = vector.broadcast %jit3A_64 : i32 to vector<64x64xi32>
    %rem3A_86 = arith.remsi %iota3A, %rem3A_85 : vector<64x64xi32>
    %ne3A_87 = arith.constant 0 : i32
    %ne3A_88 = vector.broadcast %ne3A_87 : i32 to vector<64x64xi32>
    %ne3A_89 = arith.cmpi ne, %rem3A_86, %ne3A_88 : vector<64x64xi32>
    %and3A_90 = arith.andi %ne3A_84, %ne3A_89 : vector<64x64xi1>
    %sub3A_91 = arith.constant 1 : i32
    %sub3A_92 = vector.broadcast %sub3A_91 : i32 to vector<64x64xi32>
    %sub3A_93 = arith.subi %div3A_66, %sub3A_92 : vector<64x64xi32>
    %select_n3A_94 = arith.select %and3A_90, %sub3A_93, %div3A_66 : vector<64x64xi1>, vector<64x64xi32>
    %jit3A_95 = arith.constant 2 : i32
    %eq3A_96 = arith.constant 0 : i32
    %eq3A_97 = arith.cmpi eq, %jit3A_95, %eq3A_96 : i32
    %jit3A_98 = arith.constant 1 : i32
    %select_n3A_99 = arith.select %eq3A_97, %jit3A_98, %jit3A_95 : i32
    %rem3A_100 = vector.broadcast %select_n3A_99 : i32 to vector<64x64xi32>
    %rem3A_101 = arith.remsi %select_n3A_94, %rem3A_100 : vector<64x64xi32>
    %ne3A_102 = arith.constant 0 : i32
    %ne3A_103 = vector.broadcast %ne3A_102 : i32 to vector<64x64xi32>
    %ne3A_104 = arith.cmpi ne, %rem3A_101, %ne3A_103 : vector<64x64xi32>
    %lt3A_105 = arith.constant 0 : i32
    %lt3A_106 = vector.broadcast %lt3A_105 : i32 to vector<64x64xi32>
    %lt3A_107 = arith.cmpi slt, %rem3A_101, %lt3A_106 : vector<64x64xi32>
    %lt3A_108 = arith.constant 0 : i32
    %lt3A_109 = arith.cmpi slt, %select_n3A_99, %lt3A_108 : i32
    %ne3A_110 = vector.broadcast %lt3A_109 : i1 to vector<64x64xi1>
    %ne3A_111 = vector.broadcast %ne3A_110 : vector<64x64xi1> to vector<64x64xi1>
    %ne3A_112 = arith.xori %lt3A_107, %ne3A_111 : vector<64x64xi1>
    %and3A_113 = arith.andi %ne3A_112, %ne3A_104 : vector<64x64xi1>
    %add3A_114 = vector.broadcast %select_n3A_99 : i32 to vector<64x64xi32>
    %add3A_115 = arith.addi %rem3A_101, %add3A_114 : vector<64x64xi32>
    %select_n3A_116 = arith.select %and3A_113, %add3A_115, %rem3A_101 : vector<64x64xi1>, vector<64x64xi32>
    %broadcast_in_dim3A = arith.constant 0.000000e+00 : f32
    %broadcast_in_dim3A_117 = vector.broadcast %broadcast_in_dim3A : f32 to vector<64x64xf32>
    %eq3A_118 = arith.constant 0 : i32
    %eq3A_119 = vector.broadcast %eq3A_118 : i32 to vector<64x64xi32>
    %eq3A_120 = arith.cmpi eq, %select_n3A_13, %eq3A_119 : vector<64x64xi32>
    %get3A = arith.constant 0 : index
    %get3A_121 = arith.constant 0 : index
    %get3A_122 = vector.load %arg0[%get3A, %get3A_121] : memref<8x64xf32, #tpu.memory_space<vmem>>, vector<1x64xf32>
    %get3A_123 = vector.shape_cast %get3A_122 : vector<1x64xf32> to vector<64xf32>
    %jit3A_124 = arith.constant 0.000000e+00 : f32
    %broadcast_in_dim3A_125 = vector.shape_cast %get3A_123 : vector<64xf32> to vector<1x64xf32>
    %broadcast_in_dim3A_126 = vector.broadcast %broadcast_in_dim3A_125 : vector<1x64xf32> to vector<64x64xf32>
    %broadcast_in_dim3A_127 = vector.broadcast %jit3A_124 : f32 to vector<64x64xf32>
    %select_n3A_128 = arith.select %eq3A_120, %broadcast_in_dim3A_126, %broadcast_in_dim3A_127 : vector<64x64xi1>, vector<64x64xf32>
    %add3A_129 = arith.addf %broadcast_in_dim3A_117, %select_n3A_128 : vector<64x64xf32>
    %eq3A_130 = arith.constant 1 : i32
    %eq3A_131 = vector.broadcast %eq3A_130 : i32 to vector<64x64xi32>
    %eq3A_132 = arith.cmpi eq, %select_n3A_13, %eq3A_131 : vector<64x64xi32>
    %get3A_133 = arith.constant 1 : index
    %get3A_134 = arith.constant 0 : index
    %get3A_135 = vector.load %arg0[%get3A_133, %get3A_134] : memref<8x64xf32, #tpu.memory_space<vmem>>, vector<1x64xf32>
    %get3A_136 = vector.shape_cast %get3A_135 : vector<1x64xf32> to vector<64xf32>
    %jit3A_137 = arith.constant 0.000000e+00 : f32
    %broadcast_in_dim3A_138 = vector.shape_cast %get3A_136 : vector<64xf32> to vector<1x64xf32>
    %broadcast_in_dim3A_139 = vector.broadcast %broadcast_in_dim3A_138 : vector<1x64xf32> to vector<64x64xf32>
    %broadcast_in_dim3A_140 = vector.broadcast %jit3A_137 : f32 to vector<64x64xf32>
    %select_n3A_141 = arith.select %eq3A_132, %broadcast_in_dim3A_139, %broadcast_in_dim3A_140 : vector<64x64xi1>, vector<64x64xf32>
    %add3A_142 = arith.addf %add3A_129, %select_n3A_141 : vector<64x64xf32>
    %eq3A_143 = arith.constant 2 : i32
    %eq3A_144 = vector.broadcast %eq3A_143 : i32 to vector<64x64xi32>
    %eq3A_145 = arith.cmpi eq, %select_n3A_13, %eq3A_144 : vector<64x64xi32>
    %get3A_146 = arith.constant 2 : index
    %get3A_147 = arith.constant 0 : index
    %get3A_148 = vector.load %arg0[%get3A_146, %get3A_147] : memref<8x64xf32, #tpu.memory_space<vmem>>, vector<1x64xf32>
    %get3A_149 = vector.shape_cast %get3A_148 : vector<1x64xf32> to vector<64xf32>
    %jit3A_150 = arith.constant 0.000000e+00 : f32
    %broadcast_in_dim3A_151 = vector.shape_cast %get3A_149 : vector<64xf32> to vector<1x64xf32>
    %broadcast_in_dim3A_152 = vector.broadcast %broadcast_in_dim3A_151 : vector<1x64xf32> to vector<64x64xf32>
    %broadcast_in_dim3A_153 = vector.broadcast %jit3A_150 : f32 to vector<64x64xf32>
    %select_n3A_154 = arith.select %eq3A_145, %broadcast_in_dim3A_152, %broadcast_in_dim3A_153 : vector<64x64xi1>, vector<64x64xf32>
    %add3A_155 = arith.addf %add3A_142, %select_n3A_154 : vector<64x64xf32>
    %eq3A_156 = arith.constant 3 : i32
    %eq3A_157 = vector.broadcast %eq3A_156 : i32 to vector<64x64xi32>
    %eq3A_158 = arith.cmpi eq, %select_n3A_13, %eq3A_157 : vector<64x64xi32>
    %get3A_159 = arith.constant 3 : index
    %get3A_160 = arith.constant 0 : index
    %get3A_161 = vector.load %arg0[%get3A_159, %get3A_160] : memref<8x64xf32, #tpu.memory_space<vmem>>, vector<1x64xf32>
    %get3A_162 = vector.shape_cast %get3A_161 : vector<1x64xf32> to vector<64xf32>
    %jit3A_163 = arith.constant 0.000000e+00 : f32
    %broadcast_in_dim3A_164 = vector.shape_cast %get3A_162 : vector<64xf32> to vector<1x64xf32>
    %broadcast_in_dim3A_165 = vector.broadcast %broadcast_in_dim3A_164 : vector<1x64xf32> to vector<64x64xf32>
    %broadcast_in_dim3A_166 = vector.broadcast %jit3A_163 : f32 to vector<64x64xf32>
    %select_n3A_167 = arith.select %eq3A_158, %broadcast_in_dim3A_165, %broadcast_in_dim3A_166 : vector<64x64xi1>, vector<64x64xf32>
    %add3A_168 = arith.addf %add3A_155, %select_n3A_167 : vector<64x64xf32>
    %eq3A_169 = arith.constant 4 : i32
    %eq3A_170 = vector.broadcast %eq3A_169 : i32 to vector<64x64xi32>
    %eq3A_171 = arith.cmpi eq, %select_n3A_13, %eq3A_170 : vector<64x64xi32>
    %get3A_172 = arith.constant 4 : index
    %get3A_173 = arith.constant 0 : index
    %get3A_174 = vector.load %arg0[%get3A_172, %get3A_173] : memref<8x64xf32, #tpu.memory_space<vmem>>, vector<1x64xf32>
    %get3A_175 = vector.shape_cast %get3A_174 : vector<1x64xf32> to vector<64xf32>
    %jit3A_176 = arith.constant 0.000000e+00 : f32
    %broadcast_in_dim3A_177 = vector.shape_cast %get3A_175 : vector<64xf32> to vector<1x64xf32>
    %broadcast_in_dim3A_178 = vector.broadcast %broadcast_in_dim3A_177 : vector<1x64xf32> to vector<64x64xf32>
    %broadcast_in_dim3A_179 = vector.broadcast %jit3A_176 : f32 to vector<64x64xf32>
    %select_n3A_180 = arith.select %eq3A_171, %broadcast_in_dim3A_178, %broadcast_in_dim3A_179 : vector<64x64xi1>, vector<64x64xf32>
    %add3A_181 = arith.addf %add3A_168, %select_n3A_180 : vector<64x64xf32>
    %eq3A_182 = arith.constant 0 : i32
    %eq3A_183 = vector.broadcast %eq3A_182 : i32 to vector<64x64xi32>
    %eq3A_184 = arith.cmpi eq, %select_n3A_63, %eq3A_183 : vector<64x64xi32>
    %get3A_185 = arith.constant 0 : index
    %get3A_186 = arith.constant 0 : index
    %get3A_187 = vector.load %arg1[%get3A_185, %get3A_186] : memref<8x64xf32, #tpu.memory_space<vmem>>, vector<1x64xf32>
    %get3A_188 = vector.shape_cast %get3A_187 : vector<1x64xf32> to vector<64xf32>
    %jit3A_189 = arith.constant 0.000000e+00 : f32
    %broadcast_in_dim3A_190 = vector.shape_cast %get3A_188 : vector<64xf32> to vector<1x64xf32>
    %broadcast_in_dim3A_191 = vector.broadcast %broadcast_in_dim3A_190 : vector<1x64xf32> to vector<64x64xf32>
    %broadcast_in_dim3A_192 = vector.broadcast %jit3A_189 : f32 to vector<64x64xf32>
    %select_n3A_193 = arith.select %eq3A_184, %broadcast_in_dim3A_191, %broadcast_in_dim3A_192 : vector<64x64xi1>, vector<64x64xf32>
    %add3A_194 = arith.addf %add3A_181, %select_n3A_193 : vector<64x64xf32>
    %eq3A_195 = arith.constant 1 : i32
    %eq3A_196 = vector.broadcast %eq3A_195 : i32 to vector<64x64xi32>
    %eq3A_197 = arith.cmpi eq, %select_n3A_63, %eq3A_196 : vector<64x64xi32>
    %get3A_198 = arith.constant 1 : index
    %get3A_199 = arith.constant 0 : index
    %get3A_200 = vector.load %arg1[%get3A_198, %get3A_199] : memref<8x64xf32, #tpu.memory_space<vmem>>, vector<1x64xf32>
    %get3A_201 = vector.shape_cast %get3A_200 : vector<1x64xf32> to vector<64xf32>
    %jit3A_202 = arith.constant 0.000000e+00 : f32
    %broadcast_in_dim3A_203 = vector.shape_cast %get3A_201 : vector<64xf32> to vector<1x64xf32>
    %broadcast_in_dim3A_204 = vector.broadcast %broadcast_in_dim3A_203 : vector<1x64xf32> to vector<64x64xf32>
    %broadcast_in_dim3A_205 = vector.broadcast %jit3A_202 : f32 to vector<64x64xf32>
    %select_n3A_206 = arith.select %eq3A_197, %broadcast_in_dim3A_204, %broadcast_in_dim3A_205 : vector<64x64xi1>, vector<64x64xf32>
    %add3A_207 = arith.addf %add3A_194, %select_n3A_206 : vector<64x64xf32>
    %eq3A_208 = arith.constant 2 : i32
    %eq3A_209 = vector.broadcast %eq3A_208 : i32 to vector<64x64xi32>
    %eq3A_210 = arith.cmpi eq, %select_n3A_63, %eq3A_209 : vector<64x64xi32>
    %get3A_211 = arith.constant 2 : index
    %get3A_212 = arith.constant 0 : index
    %get3A_213 = vector.load %arg1[%get3A_211, %get3A_212] : memref<8x64xf32, #tpu.memory_space<vmem>>, vector<1x64xf32>
    %get3A_214 = vector.shape_cast %get3A_213 : vector<1x64xf32> to vector<64xf32>
    %jit3A_215 = arith.constant 0.000000e+00 : f32
    %broadcast_in_dim3A_216 = vector.shape_cast %get3A_214 : vector<64xf32> to vector<1x64xf32>
    %broadcast_in_dim3A_217 = vector.broadcast %broadcast_in_dim3A_216 : vector<1x64xf32> to vector<64x64xf32>
    %broadcast_in_dim3A_218 = vector.broadcast %jit3A_215 : f32 to vector<64x64xf32>
    %select_n3A_219 = arith.select %eq3A_210, %broadcast_in_dim3A_217, %broadcast_in_dim3A_218 : vector<64x64xi1>, vector<64x64xf32>
    %add3A_220 = arith.addf %add3A_207, %select_n3A_219 : vector<64x64xf32>
    %eq3A_221 = arith.constant 3 : i32
    %eq3A_222 = vector.broadcast %eq3A_221 : i32 to vector<64x64xi32>
    %eq3A_223 = arith.cmpi eq, %select_n3A_63, %eq3A_222 : vector<64x64xi32>
    %get3A_224 = arith.constant 3 : index
    %get3A_225 = arith.constant 0 : index
    %get3A_226 = vector.load %arg1[%get3A_224, %get3A_225] : memref<8x64xf32, #tpu.memory_space<vmem>>, vector<1x64xf32>
    %get3A_227 = vector.shape_cast %get3A_226 : vector<1x64xf32> to vector<64xf32>
    %jit3A_228 = arith.constant 0.000000e+00 : f32
    %broadcast_in_dim3A_229 = vector.shape_cast %get3A_227 : vector<64xf32> to vector<1x64xf32>
    %broadcast_in_dim3A_230 = vector.broadcast %broadcast_in_dim3A_229 : vector<1x64xf32> to vector<64x64xf32>
    %broadcast_in_dim3A_231 = vector.broadcast %jit3A_228 : f32 to vector<64x64xf32>
    %select_n3A_232 = arith.select %eq3A_223, %broadcast_in_dim3A_230, %broadcast_in_dim3A_231 : vector<64x64xi1>, vector<64x64xf32>
    %add3A_233 = arith.addf %add3A_220, %select_n3A_232 : vector<64x64xf32>
    %eq3A_234 = arith.constant 4 : i32
    %eq3A_235 = vector.broadcast %eq3A_234 : i32 to vector<64x64xi32>
    %eq3A_236 = arith.cmpi eq, %select_n3A_63, %eq3A_235 : vector<64x64xi32>
    %get3A_237 = arith.constant 4 : index
    %get3A_238 = arith.constant 0 : index
    %get3A_239 = vector.load %arg1[%get3A_237, %get3A_238] : memref<8x64xf32, #tpu.memory_space<vmem>>, vector<1x64xf32>
    %get3A_240 = vector.shape_cast %get3A_239 : vector<1x64xf32> to vector<64xf32>
    %jit3A_241 = arith.constant 0.000000e+00 : f32
    %broadcast_in_dim3A_242 = vector.shape_cast %get3A_240 : vector<64xf32> to vector<1x64xf32>
    %broadcast_in_dim3A_243 = vector.broadcast %broadcast_in_dim3A_242 : vector<1x64xf32> to vector<64x64xf32>
    %broadcast_in_dim3A_244 = vector.broadcast %jit3A_241 : f32 to vector<64x64xf32>
    %select_n3A_245 = arith.select %eq3A_236, %broadcast_in_dim3A_243, %broadcast_in_dim3A_244 : vector<64x64xi1>, vector<64x64xf32>
    %add3A_246 = arith.addf %add3A_233, %select_n3A_245 : vector<64x64xf32>
    %eq3A_247 = arith.constant 5 : i32
    %eq3A_248 = vector.broadcast %eq3A_247 : i32 to vector<64x64xi32>
    %eq3A_249 = arith.cmpi eq, %select_n3A_63, %eq3A_248 : vector<64x64xi32>
    %get3A_250 = arith.constant 5 : index
    %get3A_251 = arith.constant 0 : index
    %get3A_252 = vector.load %arg1[%get3A_250, %get3A_251] : memref<8x64xf32, #tpu.memory_space<vmem>>, vector<1x64xf32>
    %get3A_253 = vector.shape_cast %get3A_252 : vector<1x64xf32> to vector<64xf32>
    %jit3A_254 = arith.constant 0.000000e+00 : f32
    %broadcast_in_dim3A_255 = vector.shape_cast %get3A_253 : vector<64xf32> to vector<1x64xf32>
    %broadcast_in_dim3A_256 = vector.broadcast %broadcast_in_dim3A_255 : vector<1x64xf32> to vector<64x64xf32>
    %broadcast_in_dim3A_257 = vector.broadcast %jit3A_254 : f32 to vector<64x64xf32>
    %select_n3A_258 = arith.select %eq3A_249, %broadcast_in_dim3A_256, %broadcast_in_dim3A_257 : vector<64x64xi1>, vector<64x64xf32>
    %add3A_259 = arith.addf %add3A_246, %select_n3A_258 : vector<64x64xf32>
    %eq3A_260 = arith.constant 0 : i32
    %eq3A_261 = vector.broadcast %eq3A_260 : i32 to vector<64x64xi32>
    %eq3A_262 = arith.cmpi eq, %select_n3A_116, %eq3A_261 : vector<64x64xi32>
    %get3A_263 = arith.constant 0 : index
    %get3A_264 = arith.constant 0 : index
    %get3A_265 = vector.load %arg2[%get3A_263, %get3A_264] : memref<8x64xf32, #tpu.memory_space<vmem>>, vector<1x64xf32>
    %get3A_266 = vector.shape_cast %get3A_265 : vector<1x64xf32> to vector<64xf32>
    %jit3A_267 = arith.constant 0.000000e+00 : f32
    %broadcast_in_dim3A_268 = vector.shape_cast %get3A_266 : vector<64xf32> to vector<1x64xf32>
    %broadcast_in_dim3A_269 = vector.broadcast %broadcast_in_dim3A_268 : vector<1x64xf32> to vector<64x64xf32>
    %broadcast_in_dim3A_270 = vector.broadcast %jit3A_267 : f32 to vector<64x64xf32>
    %select_n3A_271 = arith.select %eq3A_262, %broadcast_in_dim3A_269, %broadcast_in_dim3A_270 : vector<64x64xi1>, vector<64x64xf32>
    %add3A_272 = arith.addf %add3A_259, %select_n3A_271 : vector<64x64xf32>
    %eq3A_273 = arith.constant 1 : i32
    %eq3A_274 = vector.broadcast %eq3A_273 : i32 to vector<64x64xi32>
    %eq3A_275 = arith.cmpi eq, %select_n3A_116, %eq3A_274 : vector<64x64xi32>
    %get3A_276 = arith.constant 1 : index
    %get3A_277 = arith.constant 0 : index
    %get3A_278 = vector.load %arg2[%get3A_276, %get3A_277] : memref<8x64xf32, #tpu.memory_space<vmem>>, vector<1x64xf32>
    %get3A_279 = vector.shape_cast %get3A_278 : vector<1x64xf32> to vector<64xf32>
    %jit3A_280 = arith.constant 0.000000e+00 : f32
    %broadcast_in_dim3A_281 = vector.shape_cast %get3A_279 : vector<64xf32> to vector<1x64xf32>
    %broadcast_in_dim3A_282 = vector.broadcast %broadcast_in_dim3A_281 : vector<1x64xf32> to vector<64x64xf32>
    %broadcast_in_dim3A_283 = vector.broadcast %jit3A_280 : f32 to vector<64x64xf32>
    %select_n3A_284 = arith.select %eq3A_275, %broadcast_in_dim3A_282, %broadcast_in_dim3A_283 : vector<64x64xi1>, vector<64x64xf32>
    %add3A_285 = arith.addf %add3A_272, %select_n3A_284 : vector<64x64xf32>
    %mul3A = arith.constant 0.577350259 : f32
    %mul3A_286 = vector.broadcast %mul3A : f32 to vector<64x64xf32>
    %mul3A_287 = arith.mulf %add3A_285, %mul3A_286 : vector<64x64xf32>
    %swap3A = arith.constant 0 : index
    %swap3A_288 = arith.constant 0 : index
    %swap3A_289 = vector.load %arg3[%swap3A, %swap3A_288] : memref<64x64xf32, #tpu.memory_space<vmem>>, vector<64x64xf32>
    tpu.vector_store %arg3[%swap3A, %swap3A_288], %mul3A_287 {strides = array<i32>} : memref<64x64xf32, #tpu.memory_space<vmem>>, vector<64x64xf32>,
    return
  }
}

module attributes {stable_mosaic.version = 14 : i64} {
  func.func @_expand_body(%arg0: i32, %arg1: memref<1x1x64000xi32, #tpu.memory_space<vmem>>, %arg2: memref<64x64xf32, #tpu.memory_space<vmem>>, %arg3: memref<64x64000xf32, #tpu.memory_space<vmem>>) attributes {dimension_semantics = [#tpu.dimension_semantics<arbitrary>], iteration_bounds = array<i64: 25>, scalar_prefetch = 0 : i64, scratch_operands = 0 : i64, tpu.core_type = #tpu.core_type<tc>, window_params = [{transform_indices = @transform_0, window_bounds = array<i64: 1, 1, 64000>}, {pipeline_mode = #tpu.pipeline_mode<synchronous>, transform_indices = @transform_1, window_bounds = array<i64: 64, 64>}, {transform_indices = @transform_2, window_bounds = array<i64: 64, 64000>}]} {
    %get3A = arith.constant 0 : index
    %get3A_0 = arith.constant 0 : index
    %get3A_1 = arith.constant 0 : index
    %get3A_2 = vector.load %arg1[%get3A, %get3A_0, %get3A_1] : memref<1x1x64000xi32, #tpu.memory_space<vmem>>, vector<1x1x64000xi32>
    %get3A_3 = vector.shape_cast %get3A_2 : vector<1x1x64000xi32> to vector<1x64000xi32>
    %iota3A = tpu.iota {dimensions = array<i32: 0>} : vector<64x64000xi32>
    %eq3A = vector.broadcast %get3A_3 : vector<1x64000xi32> to vector<64x64000xi32>
    %eq3A_4 = arith.cmpi eq, %iota3A, %eq3A : vector<64x64000xi32>
    %convert_element_type3A = arith.extui %eq3A_4 : vector<64x64000xi1> to vector<64x64000xi32>
    %convert_element_type3A_5 = arith.sitofp %convert_element_type3A : vector<64x64000xi32> to vector<64x64000xf32>
    %get3A_6 = arith.constant 0 : index
    %get3A_7 = arith.constant 0 : index
    %get3A_8 = vector.load %arg2[%get3A_6, %get3A_7] : memref<64x64xf32, #tpu.memory_space<vmem>>, vector<64x64xf32>
    %dot_general3A = arith.constant dense<0.000000e+00> : vector<64x64000xf32>
    %dot_general3A_9 = tpu.matmul %get3A_8, %convert_element_type3A_5, %dot_general3A {dimension_numbers = #tpu.dot_dimension_numbers<[0], [0], [1], [1], [0, 1, 1, 1], [], []>, transpose_lhs_hint = false} : vector<64x64xf32>, vector<64x64000xf32>, vector<64x64000xf32> -> vector<64x64000xf32>
    %swap3A = arith.constant 0 : index
    %swap3A_10 = arith.constant 0 : index
    %swap3A_11 = vector.load %arg3[%swap3A, %swap3A_10] : memref<64x64000xf32, #tpu.memory_space<vmem>>, vector<64x64000xf32>
    tpu.vector_store %arg3[%swap3A, %swap3A_10], %dot_general3A_9 {strides = array<i32>} : memref<64x64000xf32, #tpu.memory_space<vmem>>, vector<64x64000xf32>,
    return
  }
  func.func @transform_0(%arg0: i32) -> (i32, i32, i32) {
    %c0_i32 = arith.constant 0 : i32
    %c0_i32_0 = arith.constant 0 : i32
    %c0_i32_1 = arith.constant 0 : i32
    return %arg0, %c0_i32, %c0_i32_0 : i32, i32, i32
  }
  func.func @transform_1(%arg0: i32) -> (i32, i32) {
    %c0_i32 = arith.constant 0 : i32
    %c0_i32_0 = arith.constant 0 : i32
    %c0_i32_1 = arith.constant 0 : i32
    return %c0_i32, %c0_i32_0 : i32, i32
  }
  func.func @transform_2(%arg0: i32) -> (i32, i32) {
    %c0_i32 = arith.constant 0 : i32
    %c0_i32_0 = arith.constant 0 : i32
    return %c0_i32, %arg0 : i32, i32
  }
}

</mosaic_0001>

<sc_bundles>
// kernel: kernel.5.cloned.1.call-start
scs
__scs_entry_jumppad:
0x0: {  	(pc) =	sbr.rel $0x88, $3  }
0x1: {  	(tag) =	ssettag $0x0;
	lr =	simm.s32 $0x1  }
0x2: {  	[smem:$0x3F9D] =	sst lr;
	_ =	strace $0xD0000000  }
0x3: {  	_ = 	snop  }
0x4: {  	_ = 	snop  }
0x5: {  	_ = 	snop  }
0x6: {  	_ = 	snop  }
0x7: {  	_ = 	snop  }
__scs_overlays_trampoline_lowered:
0x8: {  	[smem:$0x3FAC] =	sst s0  }
0x9: {  	[smem:$0x3FAD] =	sst s1  }
0xa: {  	[smem:$0x3FAE] =	sst s2  }
0xb: {  	[smem:$0x3FAF] =	sst s3  }
0xc: {  	[smem:$0x3FB0] =	sst s4  }
0xd: {  	[smem:$0x3FB1] =	sst s5  }
0xe: {  	[smem:$0x3FB2] =	sst s6  }
0xf: {  	[smem:$0x3FB3] =	sst s7  }
0x10: {  	[smem:$0x3FB4] =	sst s8  }
0x11: {  	[smem:$0x3FB5] =	sst s9;
	s0 =	simm.s32 @!p0 $0x0  }
0x12: {  	s1 =	sld [smem:$0x3F9B];
	s0 =	simm.s32 @p0 $0x1  }
0x13: {  	[smem:$0x3FB6] =	sst s0;
	s0 =	simm.s32 @!p1 $0x0  }
0x14: {  	s2 =	sld [smem:$0x3F9A];
	s0 =	simm.s32 @p1 $0x1  }
0x15: {  	[smem:$0x3FB7] =	sst s0;
	s0 =	simm.s32 @!p2 $0x0  }
0x16: {  	s3 =	sld [smem:$0x3FDB];
	s0 =	simm.s32 @p2 $0x1  }
0x17: {  	s4 =	simm.s32 $0x1BF5;
	[smem:$0x3FB9] =	sst s0  }
0x18: {  	s0 =	sld [smem:$0x3F9C];
	_ =	swait.ge [sflag:s4], $0x0  }
0x19: {  	s7 =	sld [smem:$0x3F9D]  }
0x1a: {  	s8 =	sadd.s32 $0xFFFFE003, lr  }
0x1b: {  	s9 =	sadd.s32 $0xFFFFFEF7, lr;
	s5 =	simm.s32 $0xFFFFFFFF;
	p2 =	slt.u32 s8, $0xFFFFF086  }
0x1c: {  	p1 =	slt.u32 s9, $0xF7A;
	s5 =	simm.s32 @!p2 $0x0  }
0x1d: {  	s5 =	simm.s32 @p1 $0x1;
	p0 =	seq.s32 s7, s2  }
0x1e: {  	s7 =	smul.u32 @!p0 $0xF7A, s2;
	p2 =	seq.s32 @!p0 s5, $0x0  }
0x1f: {  	s9 =	smul.u32 $0xF7A, s1;
	s8 =	simm.s32 @!p0 $0x1BF5;
	p2 =	por !p2, p0  }
0x20: {  	[sflag:s8] =	ssyncset.s32 @!p0 $0xFFFFF086;
	s6 =	sadd.s32 @!p0 s3, s7;
	s7 =	simm.s32 @!p0 $0x108  }
0x21: {  	s3 =	sadd.s32 s3, s9;
	s6 =	sadd.s32 @!p0 $0x88, s6;
	s7 =	simm.s32 @p2 $0x1082  }
0x22: {  	[simem:s7], [sflag:s8] =	dma.local @!p0 [hbm:s6], $0xF7A  }
0x23: {  	s9 =	sor.u32 $0xD0000000, s2;
	s6 =	simm.s32 $0x108;
	_ =	swait.ge @!p0 [sflag:s8], $0x0  }
0x24: {  	s3 =	sadd.s32 $0x88, s3;
	s6 =	simm.s32 @!p1 $0x1082;
	[sflag:s4] =	ssyncset.s32 $0xFFFFF086  }
0x25: {  	[simem:s6], [sflag:s4] =	dma.local [hbm:s3], $0xF7A  }
0x26: {  	[smem:$0x3F9D] =	sst s1;
	(tag) =	ssettag s2;
	_ =	strace s9  }
0x27: {  	s1 =	sld [smem:$0x3FAD]  }
0x28: {  	s2 =	sld [smem:$0x3FAE]  }
0x29: {  	s4 =	sld [smem:$0x3FB0]  }
0x2a: {  	p0 =	seq.s32 s5, $0x0;
	s5 =	sld [smem:$0x3FB1]  }
0x2b: {  	s6 =	sld [smem:$0x3FB2]  }
0x2c: {  	s7 =	sld [smem:$0x3FB3]  }
0x2d: {  	s3 =	simm.s32 $0x108;
	s8 =	sld [smem:$0x3FB4]  }
0x2e: {  	s3 =	simm.s32 @!p0 $0x1082;
	s9 =	sld [smem:$0x3FB5]  }
0x2f: {  	lr =	sadd.s32 s0, s3;
	s0 =	sld [smem:$0x3FAC]  }
0x30: {  	s3 =	sld [smem:$0x3FAF]  }
0x31: {  	[smem:$0x3FB8] =	sst s10  }
0x32: {  	s10 =	sld [smem:$0x3FB6];
	_ =	sdelay $0x3  }
0x33: {  	p0 =	seq.s32 s10, $0x1;
	s10 =	sld [smem:$0x3FB8];
	_ =	sdelay $0x3  }
0x34: {  	[smem:$0x3FB8] =	sst s10  }
0x35: {  	s10 =	sld [smem:$0x3FB7];
	_ =	sdelay $0x3  }
0x36: {  	p1 =	seq.s32 s10, $0x1;
	s10 =	sld [smem:$0x3FB8];
	_ =	sdelay $0x3  }
0x37: {  	[smem:$0x3FB8] =	sst s10  }
0x38: {  	s10 =	sld [smem:$0x3FB9]  }
0x39: {  	_ = 	snop;
	(pc) =	sbr.ind lr, $3  }
0x3a: {  	_ = 	snop  }
0x3b: {  	_ = 	snop  }
0x3c: {  	p2 =	seq.s32 s10, $0x1;
	s10 =	sld [smem:$0x3FB8]  }
0x3d: {  	_ =	shalt  }
0x3e: {  	_ =	shalt  }
0x3f: {  	_ =	shalt  }
0x40: {  	_ =	shalt  }
0x41: {  	_ =	shalt  }
0x42: {  	_ =	shalt  }
0x43: {  	_ =	shalt  }
0x44: {  	_ =	shalt  }
0x45: {  	_ =	shalt  }
0x46: {  	_ =	shalt  }
0x47: {  	_ =	shalt  }
0x48: {  	_ =	shalt  }
0x49: {  	_ =	shalt  }
0x4a: {  	_ =	shalt  }
0x4b: {  	_ =	shalt  }
0x4c: {  	_ =	shalt  }
0x4d: {  	_ =	shalt  }
0x4e: {  	_ =	shalt  }
0x4f: {  	_ =	shalt  }
0x50: {  	_ =	shalt  }
0x51: {  	_ =	shalt  }
0x52: {  	_ =	shalt  }
0x53: {  	_ =	shalt  }
0x54: {  	_ =	shalt  }
0x55: {  	_ =	shalt  }
0x56: {  	_ =	shalt  }
0x57: {  	_ =	shalt  }
0x58: {  	_ =	shalt  }
0x59: {  	_ =	shalt  }
0x5a: {  	_ =	shalt  }
0x5b: {  	_ =	shalt  }
0x5c: {  	_ =	shalt  }
0x5d: {  	_ =	shalt  }
0x5e: {  	_ =	shalt  }
0x5f: {  	_ =	shalt  }
0x60: {  	_ =	shalt  }
0x61: {  	_ =	shalt  }
0x62: {  	_ =	shalt  }
0x63: {  	_ =	shalt  }
0x64: {  	_ =	shalt  }
0x65: {  	_ =	shalt  }
0x66: {  	_ =	shalt  }
0x67: {  	_ =	shalt  }
0x68: {  	_ =	shalt  }
0x69: {  	_ =	shalt  }
0x6a: {  	_ =	shalt  }
0x6b: {  	_ =	shalt  }
0x6c: {  	_ =	shalt  }
0x6d: {  	_ =	shalt  }
0x6e: {  	_ =	shalt  }
0x6f: {  	_ =	shalt  }
0x70: {  	_ =	shalt  }
0x71: {  	_ =	shalt  }
0x72: {  	_ =	shalt  }
0x73: {  	_ =	shalt  }
0x74: {  	_ =	shalt  }
0x75: {  	_ =	shalt  }
0x76: {  	_ =	shalt  }
0x77: {  	_ =	shalt  }
0x78: {  	_ =	shalt  }
0x79: {  	_ =	shalt  }
0x7a: {  	_ =	shalt  }
0x7b: {  	_ =	shalt  }
0x7c: {  	_ =	shalt  }
0x7d: {  	_ =	shalt  }
0x7e: {  	_ =	shalt  }
0x7f: {  	_ =	shalt  }
0x80: {  	_ =	shalt  }
0x81: {  	_ =	shalt  }
0x82: {  	_ =	shalt  }
0x83: {  	_ =	shalt  }
0x84: {  	_ =	shalt  }
0x85: {  	_ =	shalt  }
0x86: {  	_ =	shalt  }
0x87: {  	_ =	shalt  }
.Lfunc_end0:
.L_simem_size_0:
called_computation_lowered:
.L_overlay_start_0:
0x88: {  	s2 =	sld [smem:$0x3FD9]  }
0x89: {  	s3 =	sld [smem:$0x3FFE];
	_ =	sdelay $0x1  }
0x8a: {  	s1 =	srdreg.scid  }
0x8b: {  	s0 =	sand.u32 $0x1, s1  }
0x8c: {  	s17 =	sshll.u32 s0, $0xA;
	s2 =	sadd.s32 s3, s2  }
0x8d: {  	s2 =	sadd.s32 s2, s17  }
0x8e: {  	[smem:$0x3FC4] =	sst s2  }
0x8f: {  	_ = 	snop  }
0x90: {  	s2 =	sld [smem:$0x3FD0];
	(tm) =	ssettm $0x1  }
0x91: {  	s18 =	sld [smem:$0x3FFB];
	_ =	sdelay $0x3  }
0x92: {  	_ =	strace s18  }
0x93: {  	s3 =	sld [smem:$0x3FFC];
	_ =	sdelay $0x3  }
0x94: {  	_ =	strace s3  }
0x95: {  	s3 =	sld [smem:$0x3FFD];
	_ =	sdelay $0x3  }
0x96: {  	_ =	strace s3  }
0x97: {  	_ =	strace $0x8FFFFFFF  }
0x98: {  	s19 =	sld [smem:$0x3FDB];
	_ =	sdelay $0x1  }
0x99: {  	s4 =	simm.s32 $_scs_section_size  }
0x9a: {  	s5 =	simm.s32 $_size__tile_overlayer_lowered;
	s6 =	simm.s32 $_tile_overlayer_lowered  }
0x9b: {  	s22 =	simm.s32 $0x1BFF;
	s21 =	sshll.u32 s6, $0x1;
	s3 =	sadd.s32 s4, s19  }
0x9c: {  	s7 =	simm.s32 $0x0;
	s20 =	sshll.u32 s5, $0x1;
	s5 =	sadd.s32 s21, s3  }
0x9d: {  	[timem:s7], [sflag:s22] =	dma.local [hbm:s5], s20  }
0x9e: {  	_ =	swait.ge [sflag:s22], s20  }
0x9f: {  	s4 =	ssub.s32 $0x0, s20;
	[sflag:s22] =	ssyncset.done $0x0  }
0xa0: {  	[sflag:s22] =	ssyncadd.s32 s4;
	_ =	sdelay $0x1  }
0xa1: {  	s23 =	simm.s32 $0x1B8B  }
0xa2: {  	_ =	swait.ge [sflag:s23], $0x1  }
0xa3: {  	[sflag:s23] =	ssyncset.done $0x0  }
0xa4: {  	s25 =	simm.s32 $0x1B8E;
	s24 =	sld [smem:$0x3FFE];
	[sflag:s23] =	ssyncadd.s32 $0xFFFFFFFF  }
0xa5: {  	s26 =	simm.s32 $execute0_lowered;
	[smem:$0x3FD2] =	sst s25  }
0xa6: {  	s5 =	sshll.u32 s26, $0x1;
	_ =	strace $0x80000046;
	[dreg:$0x1] =	wrdreg $0xFFFFFFFF  }
0xa7: {  	s28 =	simm.s32 $_size_execute0_lowered;
	s3 =	sadd.s32 s3, s5;
	[dreg:$0x0] =	wrdreg $0x0  }
0xa8: {  	s5 =	sshll.u32 s28, $0x1;
	[dreg:$0x2] =	wrdreg s3  }
0xa9: {  	[dreg:$0x3] =	wrdreg s5  }
0xaa: {  	[dreg:$0x4] =	wrdreg $0xC0  }
0xab: {  	_ =	task [dreg:s7], $0x5FFFF  }
0xac: {  	[dreg:$0x1] =	wrdreg $0xFFFFFFFF  }
0xad: {  	[dreg:$0x0] =	wrdreg $0x60  }
0xae: {  	[dreg:$0x2] =	wrdreg s24  }
0xaf: {  	[dreg:$0x3] =	wrdreg s2  }
0xb0: {  	[dreg:$0x4] =	wrdreg $0x9  }
0xb1: {  	_ =	task.clear_ibuf [dreg:s7], $0x5FFFF;
	_ =	strace $0x90000046  }
0xb2: {  	s29 =	simm.s32 $0x9;
	_ =	strace $0x80000048  }
0xb3: {  	_ =	swait.ge [sflag:s29], $0x1  }
0xb4: {  	[sflag:s29] =	ssyncadd.s32 $0xFFFFFFFF  }
0xb5: {  	_ =	strace $0x90000048  }
0xb6: {  	_ =	sfence  }
0xb7: {  	s30 =	sld [smem:$0x0];
	_ =	sdelay $0x2  }
0xb8: {  	s31 =	sshll.u32 s1, $0xD;
	s1 =	sshrl.u32 s1, $0x2  }
0xb9: {  	s3 =	sand.u32 $0x4000, s31;
	s1 =	sadd.s32 s1, s30  }
0xba: {  	s0 =	sor.u32 s3, s0;
	s1 =	sshll.u32 s1, $0x11  }
0xbb: {  	s0 =	sor.u32 s1, s0  }
0xbc: {  	s0 =	sadd.s32 $0x8F2B, s0  }
0xbd: {  	[sflag:s0] =	ssyncadd.remote.s32 $0x1  }
0xbe: {  	_ =	sfence.sel $0xFFFF  }
0xbf: {  	[dreg:$0x0] =	wrdreg $0xFFFFFFFF;
	(pc) =	sbr.abs _section_cstart, $3  }
0xc0: {  	[dreg:$0x1] =	wrdreg $0xFFFFFFFF  }
0xc1: {  	_ =	task.clear_ibuf [dreg:s7], $0x2FFFF;
	_ =	strace $0x9FFFFFFF  }
0xc2: {  	(tm) =	ssettm $0x7FFFFFFF  }
0xc3: {  	_ =	shalt  }
tec
execute0_lowered:
.L_overlay_start_1:
0x0: {  	(tag) =	ssettag $0x1  }
0x1: {  	s1 =	rddreg [dreg:$0x0]  }
0x2: {  	s2 =	rddreg [dreg:$0x1]  }
0x3: {  	s0 =	rddreg [dreg:$0x2];
	s4 =	simm.s32 $0x0;
	s5 =	srdreg.scid  }
0x4: {  	s3 =	stileid.u32;
	s10 =	simm.s32 $0x2710;
	s11 =	simm.s32 $0x4E20  }
0x5: {  	s12 =	simm.s32 $0x7530;
	s13 =	simm.s32 $0x0;
	s6 =	sand.u32 $0x1, s5  }
0x6: {  	[smem:$0x7FF] =	sst s4;
	s8 =	sshll.u32 s3, $0x1;
	s7 =	ssub.s32 $0x2, s6  }
0x7: {  	s5 =	sadd.s32 $0x30E00, s1;
	_ =	strace $0x80000047;
	s9 =	sshrl.u32 s7, $0x1  }
0x8: {  	s8 =	sor.u32 s6, s8;
	s6 =	sadd.s32 $0x61C00, s1;
	s9 =	ssub.s32 s7, s9  }
0x9: {  	s7 =	smul.u32 $0xC350, s8;
	s8 =	smax.u32 s9, $0x1;
	s9 =	simm.s32 $0x1  }
.LBB2_1:
0xa: {  	s14 =	simm.s32 $0x0  }
.LBB2_2:
0xb: {  	s15 =	smul.u32 $0x2710, s14;
	_ =	sdelay $0x1  }
0xc: {  	s15 =	sadd.s32 s7, s15  }
0xd: {  	s15 =	sshrl.u32 s15, $0x3  }
0xe: {  	s17 =	simm.s32 $0x0;
	s16 =	sadd.s32 s5, s15  }
0xf: {  	[tilespmem:s17], [sflag:$0x1] =	stream.linear.gather [hbm4b:s16+s17], $0x2710, $0x38;
	[tilespmem:$0x9C40] =	vst v63  }
0x10: {  	_ =	swait.ge [sflag:s9], $0x2710  }
0x11: {  	[sflag:s9] =	ssyncset.done $0x0  }
0x12: {  	s30 =	sadd.s32 s1, s15;
	[sflag:s9] =	ssyncadd.s32 $0xFFFFD8F0  }
0x13: {  	[tilespmem:s10], [sflag:$0x1] =	stream.linear.gather [hbm4b:s30+s17], $0x2710, $0x38;
	[tilespmem:$0x9C40] =	vst v63  }
0x14: {  	_ =	swait.ge [sflag:s9], $0x2710  }
0x15: {  	[sflag:s9] =	ssyncset.done $0x0  }
0x16: {  	s31 =	sadd.s32 s2, s15;
	[sflag:s9] =	ssyncadd.s32 $0xFFFFD8F0  }
0x17: {  	[tilespmem:s11], [sflag:$0x1] =	stream.linear.gather [hbm4b:s31+s17], $0x2710, $0x38;
	[tilespmem:$0x9C40] =	vst v63  }
0x18: {  	_ =	swait.ge [sflag:s9], $0x2710  }
0x19: {  	[sflag:s9] =	ssyncset.done $0x0  }
0x1a: {  	s16 =	simm.s32 $0x0;
	[sflag:s9] =	ssyncadd.s32 $0xFFFFD8F0  }
0x1b: {  	v0 =	vld [tilespmem:s16+$0x2710]  }
0x1c: {  	v1 =	vld [tilespmem:s16+$0x4E20]  }
0x1d: {  	v2 =	vld [tilespmem:s16+$0x0]  }
0x1e: {  	s17 =	simm.s32 $0x40  }
.LBB2_3:
0x1f: {  	p0 =	sne.s32 s17, $0x9C00  }
.Ltmp0:
0x20: {  	s18 =	sshra.s32 s17, $0x2;
	s17 =	sadd.s32 $0x40, s17;
	v3 =	vmul.u32 $0x5, v0;
	(pc) =	sbr.rel @p0 .LBB2_3-.Ltmp0, $4  }
0x21: {  	v0 =	vld [tilespmem:s18+$0x2710];
	v4 =	vmul.u32 $0x1E, v1  }
0x22: {  	v1 =	vld [tilespmem:s18+$0x4E20];
	v3 =	vadd.s32 v2, v3  }
0x23: {  	v2 =	vld [tilespmem:s18+$0x0];
	v3 =	vadd.s32 v4, v3  }
0x24: {  	[tilespmem:s16+$0x7530] =	vst v3;
	s16 =	smov.u32 s18  }
0x25: {  	_ = 	snop  }
0x26: {  	v0 =	vmul.u32 $0x5, v0  }
0x27: {  	v1 =	vmul.u32 $0x1E, v1  }
0x28: {  	s14 =	sadd.s32 $0x1, s14;
	v0 =	vadd.s32 v2, v0  }
0x29: {  	p0 =	sne.s32 s14, $0x5;
	v0 =	vadd.s32 v1, v0  }
.Ltmp1:
0x2a: {  	s15 =	sadd.s32 s6, s15;
	[tilespmem:s16+$0x7530] =	vst v0;
	(pc) =	sbr.rel @p0 .LBB2_2-.Ltmp1, $4  }
0x2b: {  	[hbm4b:s15+s4] =	stream.linear.scatter [tilespmem:s12], [sflag:$0x1], $0x2710, $0x38;
	[tilespmem:$0x9C40] =	vst v63  }
0x2c: {  	_ =	swait.ge [sflag:s9], $0x2710  }
0x2d: {  	[sflag:s9] =	ssyncset.done $0x0  }
0x2e: {  	[sflag:s9] =	ssyncadd.s32 $0xFFFFD8F0  }
0x2f: {  	s13 =	sadd.s32 $0x1, s13  }
0x30: {  	p0 =	sne.s32 s13, s8  }
.Ltmp2:
0x31: {  	_ = 	snop;
	(pc) =	sbr.rel @p0 .LBB2_1-.Ltmp2, $1  }
0x32: {  	_ =	sdelay $0x3  }
0x33: {  	_ =	sfence.sel $0x180000  }
0x34: {  	[bflag:$0x0] =	sbarrier.arrive $0xFFFF  }
0x35: {  	p0 =	sne.s32 s3, $0x0;
	_ =	strace $0x90000047  }
0x36: {  	s0 =	sadd.s32 @!p0 $0x100000, s0;
	[bflag:$0x2] =	sbarrier.arrive $0xFFFF  }
0x37: {  	[sflag:s0] =	ssyncadd.tile.s32 @!p0 $0x1;
	_ =	shalt  }
.Lfunc_end2:
_tile_overlayer_lowered:
.L_overlay_start_2:
0x38: {  	(tag) =	ssettag $0x2  }
0x39: {  	s0 =	rddreg [dreg:$0x0];
	s2 =	stileid.u32  }
0x3a: {  	s1 =	rddreg [dreg:$0x1];
	p0 =	sne.s32 s2, $0x0  }
0x3b: {  	s3 =	rddreg [dreg:$0x2];
	[bflag:$0x3] =	sbarrier.arrive $0xFFFF;
	s2 =	simm.s32 @!p0 $0x1C01  }
0x3c: {  	[timem:s3], [sflag:s2] =	dma.local @!p0 [hbm:s0], s1  }
0x3d: {  	s0 =	simm.s32 @!p0 $0x1  }
0x3e: {  	_ =	swait.ge @!p0 [sflag:s0], s1  }
0x3f: {  	s1 =	ssub.s32 @!p0 $0x0, s1;
	[sflag:s0] =	ssyncset.done @!p0 $0x0  }
0x40: {  	[sflag:s0] =	ssyncadd.s32 @!p0 s1  }
0x41: {  	[bflag:$0x3] =	sbarrier.arrive $0xFFFF  }
0x42: {  	_ =	shalt  }

</sc_bundles>
